<compile_context>
chip_gen: v7x
topology: tpu7x:2x2x1
jax: 0.10.2.dev20260603
libtpu: 0.0.44.dev20260713+nightly
codegen_flags: <defaults>
</compile_context>

<pallas_src>
import functools

import jax
import jax.numpy as jnp
from jax import lax
from jax.experimental import pallas as pl
from jax.experimental.pallas import tpu as pltpu
from jax.experimental.pallas import tpu_sc as plsc

_NC, _NS, _L = 2, 16, 16
_NW = _NC * _NS
_BQ = 256
_KB = 8


def _table_body(q_ref, pe_ref, tab_ref, *, npos):
    t = jnp.dot(q_ref[...], pe_ref[...], preferred_element_type=jnp.float32)
    d = pltpu.roll(t, npos - 1, axis=1) - t
    tab_ref[...] = jnp.concatenate([t, d], axis=1)


def _sc_body(a_hbm, tab_hbm, o_hbm, a_v, o_v, g_v, tab_v, *, rows_pw, skv, npos):
    wid = lax.axis_index("s") * _NC + lax.axis_index("c")
    base = wid * rows_pw
    nslice = skv // _L

    def batch_body(bi, carry0):
        r0 = base + bi * _KB
        pltpu.sync_copy(a_hbm.at[pl.ds(r0, _KB)], a_v)
        pltpu.sync_copy(tab_hbm.at[pl.ds(r0, _KB)], tab_v)

        def row_body(r, carry1):
            def p1(j, tot):
                x = a_v[r, pl.ds(j * _L, _L)]
                g = 1.0 / (1.0 + jnp.exp(-x))
                g_v[pl.ds(j * _L, _L)] = g
                return tot + jnp.sum(g)

            tot = lax.fori_loop(0, nslice, p1, jnp.float32(0.0))

            def p2(j, rem):
                g = g_v[pl.ds(j * _L, _L)]
                pr = plsc.cumsum(g)
                pos = (rem - pr) + g
                pos = jnp.minimum(pos, float(npos - 1))
                idx = pos.astype(jnp.int32)
                fr = pos - idx.astype(jnp.float32)
                tv = plsc.load_gather(tab_v.at[r], [idx])
                dv = plsc.load_gather(tab_v.at[r], [idx + npos])
                o_v[r, pl.ds(j * _L, _L)] = tv + fr * dv
                return rem - jnp.sum(g)

            lax.fori_loop(0, nslice, p2, tot)
            return carry1

        lax.fori_loop(0, _KB, row_body, jnp.int32(0))
        pltpu.sync_copy(o_v, o_hbm.at[pl.ds(r0, _KB)])
        return carry0

    lax.fori_loop(0, rows_pw // _KB, batch_body, jnp.int32(0))


def kernel(query, attn_logits, pos_emb):
    b, h, sq, dim = query.shape
    skv = attn_logits.shape[-1]
    npos = pos_emb.shape[-1]
    rows = b * h * sq
    q2 = query.reshape(rows, dim)
    a2 = attn_logits.reshape(rows, skv)
    pe = pos_emb.reshape(dim, npos)

    tab = pl.pallas_call(
        functools.partial(_table_body, npos=npos),
        grid=(rows // _BQ,),
        in_specs=[
            pl.BlockSpec((_BQ, dim), lambda i: (i, 0)),
            pl.BlockSpec((dim, npos), lambda i: (0, 0)),
        ],
        out_specs=pl.BlockSpec((_BQ, 2 * npos), lambda i: (i, 0)),
        out_shape=jax.ShapeDtypeStruct((rows, 2 * npos), jnp.float32),
    )(q2, pe)

    mesh = plsc.VectorSubcoreMesh(
        core_axis_name="c", subcore_axis_name="s", num_cores=_NC, num_subcores=_NS
    )
    body = functools.partial(
        _sc_body, rows_pw=rows // _NW, skv=skv, npos=npos
    )
    sck = pl.kernel(
        body,
        out_type=jax.ShapeDtypeStruct((rows, skv), jnp.float32),
        mesh=mesh,
        compiler_params=pltpu.CompilerParams(needs_layout_passes=False),
        scratch_types=[
            pltpu.VMEM((_KB, skv), jnp.float32),
            pltpu.VMEM((_KB, skv), jnp.float32),
            pltpu.VMEM((skv,), jnp.float32),
            pltpu.VMEM((_KB, 2 * npos), jnp.float32),
        ],
    )
    out = sck(a2, tab)
    return out.reshape(b, h, sq, skv)

# --- scband reference (transcript-rebuilt; emitter-appended) ---
"""Pipeline reference for scband-co-pe-unit-40252433498179 (READ-ONLY COPY).

The authoritative reference and input builder live on the scoring server;
editing this copy changes nothing except your own understanding.
"""

import jax, jax.numpy as jnp
import numpy as np

NPOS_MAX = 64
HEAD_DIM = 128
B, H, SQ, SKV = 1, 16, 2048, 2048


def setup_inputs(seed: int = 0) -> dict:
    key = jax.random.key(seed)
    k1, k2, k3 = jax.random.split(key, 3)
    query = jax.random.normal(k1, (B, H, SQ, HEAD_DIM), dtype=jnp.float32)
    attn_logits = jax.random.normal(k2, (B, H, SQ, SKV), dtype=jnp.float32)
    # learned parameter nn.Parameter(torch.zeros(1, head_dim, npos_max));
    # initialized small-random here so the reference output is non-degenerate
    pos_emb = jax.random.normal(k3, (1, HEAD_DIM, NPOS_MAX), dtype=jnp.float32) * 0.02
    return {"query": query, "attn_logits": attn_logits, "pos_emb": pos_emb}


def reference(query, attn_logits, pos_emb):
    gates = jax.nn.sigmoid(attn_logits)
    # reverse (flip) cumulative sum along the last (kv) axis
    pos = jnp.flip(jnp.cumsum(jnp.flip(gates, axis=-1), axis=-1), axis=-1)
    pos = jnp.minimum(pos, NPOS_MAX - 1)
    pos_ceil = jnp.ceil(pos).astype(jnp.int32)
    pos_floor = jnp.floor(pos).astype(jnp.int32)
    # query @ pos_emb : [B,H,SQ,d] x [1,d,npos] -> [B,H,SQ,npos]
    logits_int = jnp.matmul(query, pos_emb)
    logits_ceil = jnp.take_along_axis(logits_int, pos_ceil, axis=-1)
    logits_floor = jnp.take_along_axis(logits_int, pos_floor, axis=-1)
    w = pos - pos_floor.astype(pos.dtype)
    return logits_ceil * w + logits_floor * (1.0 - w)

if __name__ == "__main__":
    import jax
    _d = setup_inputs()
    print(jax.jit(kernel)(*tuple(_d.values())))

</pallas_src>

<mosaic_0001>
#map = affine_map<(d0, d1) -> (0, 0)>
module attributes {stable_mosaic.version = 14 : i64} {
  func.func @_sc_body(%arg0: i32, %arg1: i32, %arg2: memref<32768x2048xf32, #tpu.memory_space<hbm>>, %arg3: memref<32768x128xf32, #tpu.memory_space<hbm>>, %arg4: memref<32768x2048xf32, #tpu.memory_space<hbm>>, %arg5: memref<8x2048xf32, #tpu.memory_space<vmem>>, %arg6: memref<8x2048xf32, #tpu.memory_space<vmem>>, %arg7: memref<2048xf32, #tpu.memory_space<vmem>>, %arg8: memref<8x128xf32, #tpu.memory_space<vmem>>) attributes {dimension_semantics = [#tpu.dimension_semantics<core_parallel>, #tpu.dimension_semantics<subcore_parallel>], iteration_bounds = array<i64: 2, 16>, scalar_prefetch = 0 : i64, scratch_operands = 4 : i64, tpu.core_type = #tpu.core_type<sc_vector_subcore>, window_params = [{transform_indices = #map}, {transform_indices = #map}, {transform_indices = #map}]} {
    %mul3A = arith.constant 2 : i32
    %mul3A_0 = arith.muli %arg1, %mul3A : i32
    %add3A = arith.addi %mul3A_0, %arg0 : i32
    %mul3A_1 = arith.constant 1024 : i32
    %mul3A_2 = arith.muli %add3A, %mul3A_1 : i32
    %scan3A = arith.constant 0 : i32
    %scan3A_3 = arith.constant 0 : i32
    %scan3A_4 = arith.constant 128 : i32
    %scan3A_5 = arith.addi %scan3A_3, %scan3A_4 : i32
    %scan3A_6 = arith.constant 1 : i32
    scf.for %scan3A_8 = %scan3A_3 to %scan3A_5 step %scan3A_6  : i32 {
      %mul3A_9 = arith.constant 8 : i32
      %mul3A_10 = arith.muli %scan3A_8, %mul3A_9 : i32
      %add3A_11 = arith.addi %mul3A_2, %mul3A_10 : i32
      "tpu.region"() ({
        %run_scoped3A = tpu.sem_alloc : memref<!tpu.dma_semaphore, #tpu.memory_space<semaphore_mem>>
        %dma_start3A = arith.constant 0 : i32
        %dma_start3A_18 = tpu.memref_slice %arg2[%add3A_11, %dma_start3A] : memref<32768x2048xf32, #tpu.memory_space<hbm>> -> memref<8x2048xf32, #tpu.memory_space<hbm>>
        %dma_start3A_19 = arith.constant 0 : i32
        %dma_start3A_20 = tpu.memref_slice %arg2[%add3A_11, %dma_start3A_19] : memref<32768x2048xf32, #tpu.memory_space<hbm>> -> memref<8x2048xf32, #tpu.memory_space<hbm>>
        tpu.enqueue_dma source(%dma_start3A_20 : memref<8x2048xf32, #tpu.memory_space<hbm>>) target(%arg5 : memref<8x2048xf32, #tpu.memory_space<vmem>>) target_semaphore(%run_scoped3A : memref<!tpu.dma_semaphore, #tpu.memory_space<semaphore_mem>>)
        %dma_wait3A = arith.constant 0 : i32
        %dma_wait3A_21 = tpu.memref_slice %arg2[%add3A_11, %dma_wait3A] : memref<32768x2048xf32, #tpu.memory_space<hbm>> -> memref<8x2048xf32, #tpu.memory_space<hbm>>
        %dma_wait3A_22 = arith.constant 0 : i32
        %dma_wait3A_23 = tpu.memref_slice %arg2[%add3A_11, %dma_wait3A_22] : memref<32768x2048xf32, #tpu.memory_space<hbm>> -> memref<8x2048xf32, #tpu.memory_space<hbm>>
        tpu.wait_dma2 semaphore(%run_scoped3A : memref<!tpu.dma_semaphore, #tpu.memory_space<semaphore_mem>>) src(%dma_wait3A_23 : memref<8x2048xf32, #tpu.memory_space<hbm>>) dst(%arg5 : memref<8x2048xf32, #tpu.memory_space<vmem>>)
        tpu.yield
      }) : () -> ()
      "tpu.region"() ({
        %run_scoped3A = tpu.sem_alloc : memref<!tpu.dma_semaphore, #tpu.memory_space<semaphore_mem>>
        %dma_start3A = arith.constant 0 : i32
        %dma_start3A_18 = tpu.memref_slice %arg3[%add3A_11, %dma_start3A] : memref<32768x128xf32, #tpu.memory_space<hbm>> -> memref<8x128xf32, #tpu.memory_space<hbm>>
        %dma_start3A_19 = arith.constant 0 : i32
        %dma_start3A_20 = tpu.memref_slice %arg3[%add3A_11, %dma_start3A_19] : memref<32768x128xf32, #tpu.memory_space<hbm>> -> memref<8x128xf32, #tpu.memory_space<hbm>>
        tpu.enqueue_dma source(%dma_start3A_20 : memref<8x128xf32, #tpu.memory_space<hbm>>) target(%arg8 : memref<8x128xf32, #tpu.memory_space<vmem>>) target_semaphore(%run_scoped3A : memref<!tpu.dma_semaphore, #tpu.memory_space<semaphore_mem>>)
        %dma_wait3A = arith.constant 0 : i32
        %dma_wait3A_21 = tpu.memref_slice %arg3[%add3A_11, %dma_wait3A] : memref<32768x128xf32, #tpu.memory_space<hbm>> -> memref<8x128xf32, #tpu.memory_space<hbm>>
        %dma_wait3A_22 = arith.constant 0 : i32
        %dma_wait3A_23 = tpu.memref_slice %arg3[%add3A_11, %dma_wait3A_22] : memref<32768x128xf32, #tpu.memory_space<hbm>> -> memref<8x128xf32, #tpu.memory_space<hbm>>
        tpu.wait_dma2 semaphore(%run_scoped3A : memref<!tpu.dma_semaphore, #tpu.memory_space<semaphore_mem>>) src(%dma_wait3A_23 : memref<8x128xf32, #tpu.memory_space<hbm>>) dst(%arg8 : memref<8x128xf32, #tpu.memory_space<vmem>>)
        tpu.yield
      }) : () -> ()
      %scan3A_12 = arith.constant 0 : i32
      %scan3A_13 = arith.constant 0 : i32
      %scan3A_14 = arith.constant 8 : i32
      %scan3A_15 = arith.addi %scan3A_13, %scan3A_14 : i32
      %scan3A_16 = arith.constant 1 : i32
      scf.for %scan3A_18 = %scan3A_13 to %scan3A_15 step %scan3A_16  : i32 {
        %scan3A_19 = arith.constant 0.000000e+00 : f32
        %scan3A_20 = arith.constant 0 : i32
        %scan3A_21 = arith.constant 128 : i32
        %scan3A_22 = arith.addi %scan3A_20, %scan3A_21 : i32
        %scan3A_23 = arith.constant 1 : i32
        %scan3A_24 = scf.for %scan3A_32 = %scan3A_20 to %scan3A_22 step %scan3A_23 iter_args(%scan3A_33 = %scan3A_19) -> (f32)  : i32 {
          %mul3A_34 = arith.constant 16 : i32
          %mul3A_35 = arith.muli %scan3A_32, %mul3A_34 : i32
          %get3A = arith.index_cast %scan3A_18 : i32 to index
          %get3A_36 = arith.index_cast %mul3A_35 : i32 to index
          %get3A_37 = tpu.vector_load %arg5[%get3A, %get3A_36] {strides = array<i32>} : memref<8x2048xf32, #tpu.memory_space<vmem>>, vector<16xf32>,
          %neg3A = arith.constant 0.000000e+00 : f32
          %neg3A_38 = vector.broadcast %neg3A : f32 to vector<16xf32>
          %neg3A_39 = arith.subf %neg3A_38, %get3A_37 : vector<16xf32>
          %exp3A = math.exp %neg3A_39 : vector<16xf32>
          %add3A_40 = arith.constant 1.000000e+00 : f32
          %add3A_41 = vector.broadcast %add3A_40 : f32 to vector<16xf32>
          %add3A_42 = arith.addf %add3A_41, %exp3A : vector<16xf32>
          %div3A = arith.constant 1.000000e+00 : f32
          %div3A_43 = vector.broadcast %div3A : f32 to vector<16xf32>
          %div3A_44 = arith.divf %div3A_43, %add3A_42 : vector<16xf32>
          %mul3A_45 = arith.constant 16 : i32
          %mul3A_46 = arith.muli %scan3A_32, %mul3A_45 : i32
          %swap3A = arith.index_cast %mul3A_46 : i32 to index
          %swap3A_47 = tpu.vector_load %arg7[%swap3A] {strides = array<i32>} : memref<2048xf32, #tpu.memory_space<vmem>>, vector<16xf32>,
          tpu.vector_store %arg7[%swap3A], %div3A_44 {strides = array<i32>} : memref<2048xf32, #tpu.memory_space<vmem>>, vector<16xf32>,
          %reduce_sum3A = arith.constant true
          %reduce_sum3A_48 = vector.broadcast %reduce_sum3A : i1 to vector<16xi1>
          %reduce_sum3A_49 = tpu.scan <sum>, %div3A_44 masked %reduce_sum3A_48 : vector<16xf32>, vector<16xi1> -> vector<16xf32>
          %reduce_sum3A_50 = vector.extract %reduce_sum3A_49[15] : f32 from vector<16xf32>
          %add3A_51 = arith.addf %scan3A_33, %reduce_sum3A_50 : f32
          scf.yield %add3A_51 : f32
        }
        %scan3A_25 = arith.constant 128 : i32
        %scan3A_26 = arith.constant 0 : i32
        %scan3A_27 = arith.constant 128 : i32
        %scan3A_28 = arith.addi %scan3A_26, %scan3A_27 : i32
        %scan3A_29 = arith.constant 1 : i32
        %scan3A_30 = scf.for %scan3A_32 = %scan3A_26 to %scan3A_28 step %scan3A_29 iter_args(%scan3A_33 = %scan3A_24) -> (f32)  : i32 {
          %mul3A_34 = arith.constant 16 : i32
          %mul3A_35 = arith.muli %scan3A_32, %mul3A_34 : i32
          %get3A = arith.index_cast %mul3A_35 : i32 to index
          %get3A_36 = tpu.vector_load %arg7[%get3A] {strides = array<i32>} : memref<2048xf32, #tpu.memory_space<vmem>>, vector<16xf32>,
          %broadcast_in_dim3A = arith.constant true
          %broadcast_in_dim3A_37 = vector.broadcast %broadcast_in_dim3A : i1 to vector<16xi1>
          %masked_cumsum3A = tpu.scan <sum>, %get3A_36 masked %broadcast_in_dim3A_37 : vector<16xf32>, vector<16xi1> -> vector<16xf32>
          %sub3A = vector.broadcast %scan3A_33 : f32 to vector<16xf32>
          %sub3A_38 = arith.subf %sub3A, %masked_cumsum3A : vector<16xf32>
          %add3A_39 = arith.addf %sub3A_38, %get3A_36 : vector<16xf32>
          %min3A = arith.constant 6.300000e+01 : f32
          %min3A_40 = vector.broadcast %min3A : f32 to vector<16xf32>
          %min3A_41 = arith.minimumf %add3A_39, %min3A_40 : vector<16xf32>
          %convert_element_type3A = arith.fptosi %min3A_41 : vector<16xf32> to vector<16xi32>
          %convert_element_type3A_42 = arith.sitofp %convert_element_type3A : vector<16xi32> to vector<16xf32>
          %sub3A_43 = arith.subf %min3A_41, %convert_element_type3A_42 : vector<16xf32>
          %gather3A = arith.constant 0 : i32
          %gather3A_44 = tpu.memref_slice %arg8[%scan3A_18, %gather3A] : memref<8x128xf32, #tpu.memory_space<vmem>> -> memref<1x128xf32, #tpu.memory_space<vmem>>
          %gather3A_45 = tpu.memref_squeeze %gather3A_44 : memref<1x128xf32, #tpu.memory_space<vmem>> -> memref<128xf32, #tpu.memory_space<vmem>>
          %gather3A_46 = tpu.vector_load_idx %gather3A_45[%convert_element_type3A] : memref<128xf32, #tpu.memory_space<vmem>>[vector<16xi32>], vector<16xf32>,
          %add3A_47 = arith.constant 64 : i32
          %add3A_48 = vector.broadcast %add3A_47 : i32 to vector<16xi32>
          %add3A_49 = arith.addi %convert_element_type3A, %add3A_48 : vector<16xi32>
          %gather3A_50 = arith.constant 0 : i32
          %gather3A_51 = tpu.memref_slice %arg8[%scan3A_18, %gather3A_50] : memref<8x128xf32, #tpu.memory_space<vmem>> -> memref<1x128xf32, #tpu.memory_space<vmem>>
          %gather3A_52 = tpu.memref_squeeze %gather3A_51 : memref<1x128xf32, #tpu.memory_space<vmem>> -> memref<128xf32, #tpu.memory_space<vmem>>
          %gather3A_53 = tpu.vector_load_idx %gather3A_52[%add3A_49] : memref<128xf32, #tpu.memory_space<vmem>>[vector<16xi32>], vector<16xf32>,
          %mul3A_54 = arith.mulf %sub3A_43, %gather3A_53 : vector<16xf32>
          %add3A_55 = arith.addf %gather3A_46, %mul3A_54 : vector<16xf32>
          %mul3A_56 = arith.constant 16 : i32
          %mul3A_57 = arith.muli %scan3A_32, %mul3A_56 : i32
          %swap3A = arith.index_cast %scan3A_18 : i32 to index
          %swap3A_58 = arith.index_cast %mul3A_57 : i32 to index
          %swap3A_59 = tpu.vector_load %arg6[%swap3A, %swap3A_58] {strides = array<i32>} : memref<8x2048xf32, #tpu.memory_space<vmem>>, vector<16xf32>,
          tpu.vector_store %arg6[%swap3A, %swap3A_58], %add3A_55 {strides = array<i32>} : memref<8x2048xf32, #tpu.memory_space<vmem>>, vector<16xf32>,
          %reduce_sum3A = arith.constant true
          %reduce_sum3A_60 = vector.broadcast %reduce_sum3A : i1 to vector<16xi1>
          %reduce_sum3A_61 = tpu.scan <sum>, %get3A_36 masked %reduce_sum3A_60 : vector<16xf32>, vector<16xi1> -> vector<16xf32>
          %reduce_sum3A_62 = vector.extract %reduce_sum3A_61[15] : f32 from vector<16xf32>
          %sub3A_63 = arith.subf %scan3A_33, %reduce_sum3A_62 : f32
          scf.yield %sub3A_63 : f32
        }
        %scan3A_31 = arith.constant 128 : i32
      }
      %scan3A_17 = arith.constant 8 : i32
      "tpu.region"() ({
        %run_scoped3A = tpu.sem_alloc : memref<!tpu.dma_semaphore, #tpu.memory_space<semaphore_mem>>
        %dma_start3A = arith.constant 0 : i32
        %dma_start3A_18 = tpu.memref_slice %arg4[%add3A_11, %dma_start3A] : memref<32768x2048xf32, #tpu.memory_space<hbm>> -> memref<8x2048xf32, #tpu.memory_space<hbm>>
        %dma_start3A_19 = arith.constant 0 : i32
        %dma_start3A_20 = tpu.memref_slice %arg4[%add3A_11, %dma_start3A_19] : memref<32768x2048xf32, #tpu.memory_space<hbm>> -> memref<8x2048xf32, #tpu.memory_space<hbm>>
        tpu.enqueue_dma source(%arg6 : memref<8x2048xf32, #tpu.memory_space<vmem>>) target(%dma_start3A_20 : memref<8x2048xf32, #tpu.memory_space<hbm>>) target_semaphore(%run_scoped3A : memref<!tpu.dma_semaphore, #tpu.memory_space<semaphore_mem>>)
        %dma_wait3A = arith.constant 0 : i32
        %dma_wait3A_21 = tpu.memref_slice %arg4[%add3A_11, %dma_wait3A] : memref<32768x2048xf32, #tpu.memory_space<hbm>> -> memref<8x2048xf32, #tpu.memory_space<hbm>>
        %dma_wait3A_22 = arith.constant 0 : i32
        %dma_wait3A_23 = tpu.memref_slice %arg4[%add3A_11, %dma_wait3A_22] : memref<32768x2048xf32, #tpu.memory_space<hbm>> -> memref<8x2048xf32, #tpu.memory_space<hbm>>
        tpu.wait_dma2 semaphore(%run_scoped3A : memref<!tpu.dma_semaphore, #tpu.memory_space<semaphore_mem>>) src(%arg6 : memref<8x2048xf32, #tpu.memory_space<vmem>>) dst(%dma_wait3A_23 : memref<8x2048xf32, #tpu.memory_space<hbm>>)
        tpu.yield
      }) : () -> ()
    }
    %scan3A_7 = arith.constant 128 : i32
    return
  }
}

module attributes {stable_mosaic.version = 14 : i64} {
  func.func @_table_body(%arg0: i32, %arg1: memref<256x128xf32, #tpu.memory_space<vmem>>, %arg2: memref<128x64xf32, #tpu.memory_space<vmem>>, %arg3: memref<256x128xf32, #tpu.memory_space<vmem>>) attributes {dimension_semantics = [#tpu.dimension_semantics<arbitrary>], iteration_bounds = array<i64: 128>, scalar_prefetch = 0 : i64, scratch_operands = 0 : i64, tpu.core_type = #tpu.core_type<tc>, window_params = [{transform_indices = @transform_0, window_bounds = array<i64: 256, 128>}, {pipeline_mode = #tpu.pipeline_mode<synchronous>, transform_indices = @transform_1, window_bounds = array<i64: 128, 64>}, {transform_indices = @transform_2, window_bounds = array<i64: 256, 128>}]} {
    %get3A = arith.constant 0 : index
    %get3A_0 = arith.constant 0 : index
    %get3A_1 = vector.load %arg1[%get3A, %get3A_0] : memref<256x128xf32, #tpu.memory_space<vmem>>, vector<256x128xf32>
    %get3A_2 = arith.constant 0 : index
    %get3A_3 = arith.constant 0 : index
    %get3A_4 = vector.load %arg2[%get3A_2, %get3A_3] : memref<128x64xf32, #tpu.memory_space<vmem>>, vector<128x64xf32>
    %dot_general3A = arith.constant dense<0.000000e+00> : vector<256x64xf32>
    %dot_general3A_5 = tpu.matmul %get3A_1, %get3A_4, %dot_general3A {dimension_numbers = #tpu.dot_dimension_numbers<[1], [0], [0], [1], [0, 0, 1, 1], [], []>, transpose_lhs_hint = false} : vector<256x128xf32>, vector<128x64xf32>, vector<256x64xf32> -> vector<256x64xf32>
    %roll3A = arith.constant 63 : i32
    %roll3A_6 = tpu.dynamic_rotate %dot_general3A_5 by %roll3A dim 1 : vector<256x64xf32>, i32 -> vector<256x64xf32>
    %sub3A = arith.subf %roll3A_6, %dot_general3A_5 : vector<256x64xf32>
    %concatenate3A = tpu.concatenate %dot_general3A_5, %sub3A in 1 : vector<256x64xf32>, vector<256x64xf32> -> vector<256x128xf32>
    %swap3A = arith.constant 0 : index
    %swap3A_7 = arith.constant 0 : index
    %swap3A_8 = vector.load %arg3[%swap3A, %swap3A_7] : memref<256x128xf32, #tpu.memory_space<vmem>>, vector<256x128xf32>
    tpu.vector_store %arg3[%swap3A, %swap3A_7], %concatenate3A {strides = array<i32>} : memref<256x128xf32, #tpu.memory_space<vmem>>, vector<256x128xf32>,
    return
  }
  func.func @transform_0(%arg0: i32) -> (i32, i32) {
    %c0_i32 = arith.constant 0 : i32
    %c0_i32_0 = arith.constant 0 : i32
    return %arg0, %c0_i32 : i32, i32
  }
  func.func @transform_1(%arg0: i32) -> (i32, i32) {
    %c0_i32 = arith.constant 0 : i32
    %c0_i32_0 = arith.constant 0 : i32
    %c0_i32_1 = arith.constant 0 : i32
    return %c0_i32, %c0_i32_0 : i32, i32
  }
  func.func @transform_2(%arg0: i32) -> (i32, i32) {
    %c0_i32 = arith.constant 0 : i32
    %c0_i32_0 = arith.constant 0 : i32
    return %arg0, %c0_i32 : i32, i32
  }
}

</mosaic_0001>

<sc_bundles>
// kernel: kernel.4.cloned.1.call-start
scs
__scs_entry_jumppad:
0x0: {  	(pc) =	sbr.rel $0x88, $3  }
0x1: {  	(tag) =	ssettag $0x0;
	lr =	simm.s32 $0x1  }
0x2: {  	[smem:$0x3F9E] =	sst lr;
	_ =	strace $0xD0000000  }
0x3: {  	_ = 	snop  }
0x4: {  	_ = 	snop  }
0x5: {  	_ = 	snop  }
0x6: {  	_ = 	snop  }
0x7: {  	_ = 	snop  }
__scs_overlays_trampoline_lowered:
0x8: {  	[smem:$0x3FAD] =	sst s0  }
0x9: {  	[smem:$0x3FAE] =	sst s1  }
0xa: {  	[smem:$0x3FAF] =	sst s2  }
0xb: {  	[smem:$0x3FB0] =	sst s3  }
0xc: {  	[smem:$0x3FB1] =	sst s4  }
0xd: {  	[smem:$0x3FB2] =	sst s5  }
0xe: {  	[smem:$0x3FB3] =	sst s6  }
0xf: {  	[smem:$0x3FB4] =	sst s7  }
0x10: {  	[smem:$0x3FB5] =	sst s8  }
0x11: {  	[smem:$0x3FB6] =	sst s9;
	s0 =	simm.s32 @!p0 $0x0  }
0x12: {  	s1 =	sld [smem:$0x3F9C];
	s0 =	simm.s32 @p0 $0x1  }
0x13: {  	[smem:$0x3FB7] =	sst s0;
	s0 =	simm.s32 @!p1 $0x0  }
0x14: {  	s2 =	sld [smem:$0x3F9B];
	s0 =	simm.s32 @p1 $0x1  }
0x15: {  	[smem:$0x3FB8] =	sst s0;
	s0 =	simm.s32 @!p2 $0x0  }
0x16: {  	s3 =	sld [smem:$0x3FDB];
	s0 =	simm.s32 @p2 $0x1  }
0x17: {  	s4 =	simm.s32 $0x1BF5;
	[smem:$0x3FBA] =	sst s0  }
0x18: {  	s0 =	sld [smem:$0x3F9D];
	_ =	swait.ge [sflag:s4], $0x0  }
0x19: {  	s7 =	sld [smem:$0x3F9E]  }
0x1a: {  	s8 =	sadd.s32 $0xFFFFE003, lr  }
0x1b: {  	s9 =	sadd.s32 $0xFFFFFEF7, lr;
	s5 =	simm.s32 $0xFFFFFFFF;
	p2 =	slt.u32 s8, $0xFFFFF086  }
0x1c: {  	p1 =	slt.u32 s9, $0xF7A;
	s5 =	simm.s32 @!p2 $0x0  }
0x1d: {  	s5 =	simm.s32 @p1 $0x1;
	p0 =	seq.s32 s7, s2  }
0x1e: {  	s7 =	smul.u32 @!p0 $0xF7A, s2;
	p2 =	seq.s32 @!p0 s5, $0x0  }
0x1f: {  	s9 =	smul.u32 $0xF7A, s1;
	s8 =	simm.s32 @!p0 $0x1BF5;
	p2 =	por !p2, p0  }
0x20: {  	[sflag:s8] =	ssyncset.s32 @!p0 $0xFFFFF086;
	s6 =	sadd.s32 @!p0 s3, s7;
	s7 =	simm.s32 @!p0 $0x108  }
0x21: {  	s3 =	sadd.s32 s3, s9;
	s6 =	sadd.s32 @!p0 $0x88, s6;
	s7 =	simm.s32 @p2 $0x1082  }
0x22: {  	[simem:s7], [sflag:s8] =	dma.local @!p0 [hbm:s6], $0xF7A  }
0x23: {  	s9 =	sor.u32 $0xD0000000, s2;
	s6 =	simm.s32 $0x108;
	_ =	swait.ge @!p0 [sflag:s8], $0x0  }
0x24: {  	s3 =	sadd.s32 $0x88, s3;
	s6 =	simm.s32 @!p1 $0x1082;
	[sflag:s4] =	ssyncset.s32 $0xFFFFF086  }
0x25: {  	[simem:s6], [sflag:s4] =	dma.local [hbm:s3], $0xF7A  }
0x26: {  	[smem:$0x3F9E] =	sst s1;
	(tag) =	ssettag s2;
	_ =	strace s9  }
0x27: {  	s1 =	sld [smem:$0x3FAE]  }
0x28: {  	s2 =	sld [smem:$0x3FAF]  }
0x29: {  	s4 =	sld [smem:$0x3FB1]  }
0x2a: {  	p0 =	seq.s32 s5, $0x0;
	s5 =	sld [smem:$0x3FB2]  }
0x2b: {  	s6 =	sld [smem:$0x3FB3]  }
0x2c: {  	s7 =	sld [smem:$0x3FB4]  }
0x2d: {  	s3 =	simm.s32 $0x108;
	s8 =	sld [smem:$0x3FB5]  }
0x2e: {  	s3 =	simm.s32 @!p0 $0x1082;
	s9 =	sld [smem:$0x3FB6]  }
0x2f: {  	lr =	sadd.s32 s0, s3;
	s0 =	sld [smem:$0x3FAD]  }
0x30: {  	s3 =	sld [smem:$0x3FB0]  }
0x31: {  	[smem:$0x3FB9] =	sst s10  }
0x32: {  	s10 =	sld [smem:$0x3FB7];
	_ =	sdelay $0x3  }
0x33: {  	p0 =	seq.s32 s10, $0x1;
	s10 =	sld [smem:$0x3FB9];
	_ =	sdelay $0x3  }
0x34: {  	[smem:$0x3FB9] =	sst s10  }
0x35: {  	s10 =	sld [smem:$0x3FB8];
	_ =	sdelay $0x3  }
0x36: {  	p1 =	seq.s32 s10, $0x1;
	s10 =	sld [smem:$0x3FB9];
	_ =	sdelay $0x3  }
0x37: {  	[smem:$0x3FB9] =	sst s10  }
0x38: {  	s10 =	sld [smem:$0x3FBA]  }
0x39: {  	_ = 	snop;
	(pc) =	sbr.ind lr, $3  }
0x3a: {  	_ = 	snop  }
0x3b: {  	_ = 	snop  }
0x3c: {  	p2 =	seq.s32 s10, $0x1;
	s10 =	sld [smem:$0x3FB9]  }
0x3d: {  	_ =	shalt  }
0x3e: {  	_ =	shalt  }
0x3f: {  	_ =	shalt  }
0x40: {  	_ =	shalt  }
0x41: {  	_ =	shalt  }
0x42: {  	_ =	shalt  }
0x43: {  	_ =	shalt  }
0x44: {  	_ =	shalt  }
0x45: {  	_ =	shalt  }
0x46: {  	_ =	shalt  }
0x47: {  	_ =	shalt  }
0x48: {  	_ =	shalt  }
0x49: {  	_ =	shalt  }
0x4a: {  	_ =	shalt  }
0x4b: {  	_ =	shalt  }
0x4c: {  	_ =	shalt  }
0x4d: {  	_ =	shalt  }
0x4e: {  	_ =	shalt  }
0x4f: {  	_ =	shalt  }
0x50: {  	_ =	shalt  }
0x51: {  	_ =	shalt  }
0x52: {  	_ =	shalt  }
0x53: {  	_ =	shalt  }
0x54: {  	_ =	shalt  }
0x55: {  	_ =	shalt  }
0x56: {  	_ =	shalt  }
0x57: {  	_ =	shalt  }
0x58: {  	_ =	shalt  }
0x59: {  	_ =	shalt  }
0x5a: {  	_ =	shalt  }
0x5b: {  	_ =	shalt  }
0x5c: {  	_ =	shalt  }
0x5d: {  	_ =	shalt  }
0x5e: {  	_ =	shalt  }
0x5f: {  	_ =	shalt  }
0x60: {  	_ =	shalt  }
0x61: {  	_ =	shalt  }
0x62: {  	_ =	shalt  }
0x63: {  	_ =	shalt  }
0x64: {  	_ =	shalt  }
0x65: {  	_ =	shalt  }
0x66: {  	_ =	shalt  }
0x67: {  	_ =	shalt  }
0x68: {  	_ =	shalt  }
0x69: {  	_ =	shalt  }
0x6a: {  	_ =	shalt  }
0x6b: {  	_ =	shalt  }
0x6c: {  	_ =	shalt  }
0x6d: {  	_ =	shalt  }
0x6e: {  	_ =	shalt  }
0x6f: {  	_ =	shalt  }
0x70: {  	_ =	shalt  }
0x71: {  	_ =	shalt  }
0x72: {  	_ =	shalt  }
0x73: {  	_ =	shalt  }
0x74: {  	_ =	shalt  }
0x75: {  	_ =	shalt  }
0x76: {  	_ =	shalt  }
0x77: {  	_ =	shalt  }
0x78: {  	_ =	shalt  }
0x79: {  	_ =	shalt  }
0x7a: {  	_ =	shalt  }
0x7b: {  	_ =	shalt  }
0x7c: {  	_ =	shalt  }
0x7d: {  	_ =	shalt  }
0x7e: {  	_ =	shalt  }
0x7f: {  	_ =	shalt  }
0x80: {  	_ =	shalt  }
0x81: {  	_ =	shalt  }
0x82: {  	_ =	shalt  }
0x83: {  	_ =	shalt  }
0x84: {  	_ =	shalt  }
0x85: {  	_ =	shalt  }
0x86: {  	_ =	shalt  }
0x87: {  	_ =	shalt  }
.Lfunc_end0:
.L_simem_size_0:
called_computation_lowered:
.L_overlay_start_0:
0x88: {  	s2 =	sld [smem:$0x3FD9]  }
0x89: {  	s3 =	sld [smem:$0x3FFE];
	_ =	sdelay $0x1  }
0x8a: {  	s1 =	srdreg.scid  }
0x8b: {  	s0 =	sand.u32 $0x1, s1  }
0x8c: {  	s17 =	sshll.u32 s0, $0xA;
	s2 =	sadd.s32 s3, s2  }
0x8d: {  	s2 =	sadd.s32 s2, s17  }
0x8e: {  	[smem:$0x3FC5] =	sst s2  }
0x8f: {  	_ = 	snop  }
0x90: {  	s2 =	sld [smem:$0x3FC8]  }
0x91: {  	s18 =	sld [smem:$0x3FD0];
	(tm) =	ssettm $0x1  }
0x92: {  	s4 =	sld [smem:$0x3FFB];
	_ =	sdelay $0x3  }
0x93: {  	_ =	strace s4  }
0x94: {  	s4 =	sld [smem:$0x3FFC];
	_ =	sdelay $0x3  }
0x95: {  	_ =	strace s4  }
0x96: {  	s4 =	sld [smem:$0x3FFD];
	_ =	sdelay $0x3  }
0x97: {  	_ =	strace s4  }
0x98: {  	_ =	strace $0x8FFFFFFF  }
0x99: {  	s19 =	sld [smem:$0x3FDB];
	_ =	sdelay $0x1  }
0x9a: {  	s5 =	simm.s32 $_scs_section_size  }
0x9b: {  	s6 =	simm.s32 $_size__tile_overlayer_lowered;
	s7 =	simm.s32 $_tile_overlayer_lowered  }
0x9c: {  	s22 =	simm.s32 $0x1BFF;
	s21 =	sshll.u32 s7, $0x1;
	s4 =	sadd.s32 s5, s19  }
0x9d: {  	s8 =	simm.s32 $0x0;
	s20 =	sshll.u32 s6, $0x1;
	s6 =	sadd.s32 s21, s4  }
0x9e: {  	[timem:s8], [sflag:s22] =	dma.local [hbm:s6], s20  }
0x9f: {  	_ =	swait.ge [sflag:s22], s20  }
0xa0: {  	s5 =	ssub.s32 $0x0, s20;
	[sflag:s22] =	ssyncset.done $0x0  }
0xa1: {  	[sflag:s22] =	ssyncadd.s32 s5;
	_ =	sdelay $0x1  }
0xa2: {  	s23 =	simm.s32 $0x1B8B  }
0xa3: {  	_ =	swait.ge [sflag:s23], $0x1  }
0xa4: {  	[sflag:s23] =	ssyncset.done $0x0  }
0xa5: {  	s25 =	simm.s32 $0x1B8E;
	s24 =	sld [smem:$0x3FFE];
	[sflag:s23] =	ssyncadd.s32 $0xFFFFFFFF  }
0xa6: {  	s26 =	simm.s32 $execute0_lowered;
	[smem:$0x3FD2] =	sst s25  }
0xa7: {  	s6 =	sshll.u32 s26, $0x1;
	_ =	strace $0x80000046;
	[dreg:$0x1] =	wrdreg $0xFFFFFFFF  }
0xa8: {  	s28 =	simm.s32 $_size_execute0_lowered;
	s4 =	sadd.s32 s4, s6;
	[dreg:$0x0] =	wrdreg $0x0  }
0xa9: {  	s6 =	sshll.u32 s28, $0x1;
	[dreg:$0x2] =	wrdreg s4  }
0xaa: {  	[dreg:$0x3] =	wrdreg s6  }
0xab: {  	[dreg:$0x4] =	wrdreg $0xC0  }
0xac: {  	_ =	task [dreg:s8], $0x5FFFF  }
0xad: {  	[dreg:$0x1] =	wrdreg $0xFFFFFFFF  }
0xae: {  	[dreg:$0x0] =	wrdreg $0x60  }
0xaf: {  	[dreg:$0x2] =	wrdreg s2  }
0xb0: {  	[dreg:$0x3] =	wrdreg s24  }
0xb1: {  	[dreg:$0x4] =	wrdreg s18  }
0xb2: {  	[dreg:$0x5] =	wrdreg $0x9  }
0xb3: {  	_ =	task.clear_ibuf [dreg:s8], $0x6FFFF;
	_ =	strace $0x90000046  }
0xb4: {  	s29 =	simm.s32 $0x9;
	_ =	strace $0x80000048  }
0xb5: {  	_ =	swait.ge [sflag:s29], $0x1  }
0xb6: {  	[sflag:s29] =	ssyncadd.s32 $0xFFFFFFFF  }
0xb7: {  	_ =	strace $0x90000048  }
0xb8: {  	_ =	sfence  }
0xb9: {  	s30 =	sld [smem:$0x0];
	_ =	sdelay $0x2  }
0xba: {  	s31 =	sshll.u32 s1, $0xD;
	s1 =	sshrl.u32 s1, $0x2  }
0xbb: {  	s3 =	sand.u32 $0x4000, s31;
	s1 =	sadd.s32 s1, s30  }
0xbc: {  	s0 =	sor.u32 s3, s0;
	s1 =	sshll.u32 s1, $0x11  }
0xbd: {  	s0 =	sor.u32 s1, s0  }
0xbe: {  	s0 =	sadd.s32 $0x8F2B, s0  }
0xbf: {  	[sflag:s0] =	ssyncadd.remote.s32 $0x1  }
0xc0: {  	_ =	sfence.sel $0xFFFF  }
0xc1: {  	[dreg:$0x0] =	wrdreg $0xFFFFFFFF;
	(pc) =	sbr.abs _section_cstart, $3  }
0xc2: {  	[dreg:$0x1] =	wrdreg $0xFFFFFFFF  }
0xc3: {  	_ =	task.clear_ibuf [dreg:s8], $0x2FFFF;
	_ =	strace $0x9FFFFFFF  }
0xc4: {  	(tm) =	ssettm $0x7FFFFFFF  }
0xc5: {  	_ =	shalt  }
tec
execute0_lowered:
.L_overlay_start_1:
0x0: {  	(tag) =	ssettag $0x1  }
0x1: {  	s1 =	rddreg [dreg:$0x0]  }
0x2: {  	s4 =	rddreg [dreg:$0x1]  }
0x3: {  	s2 =	rddreg [dreg:$0x2]  }
0x4: {  	s0 =	rddreg [dreg:$0x3];
	s3 =	simm.s32 $0x0  }
0x5: {  	s5 =	srdreg.scid;
	s9 =	simm.s32 $0x8800;
	s10 =	simm.s32 $0x4000  }
0x6: {  	s11 =	simm.s32 $0x0;
	s14 =	simm.s32 $0x0;
	s6 =	sand.u32 $0x1, s5  }
0x7: {  	[smem:$0x7FF] =	sst s3;
	s5 =	sadd.s32 $0x600, s4;
	s7 =	ssub.s32 $0x2, s6  }
0x8: {  	s4 =	stileid.u32;
	_ =	strace $0x80000047;
	s8 =	sshrl.u32 s7, $0x1  }
0x9: {  	s31 =	sshll.u32 s4, $0x8;
	s6 =	sshll.u32 s6, $0x7;
	s7 =	ssub.s32 s7, s8  }
0xa: {  	s6 =	sor.u32 s6, s31;
	s8 =	simm.s32 $0x1;
	s7 =	smax.u32 s7, $0x1  }
.LBB2_1:
0xb: {  	s12 =	simm.s32 $0x0  }
.LBB2_2:
0xc: {  	s15 =	sadd.s32 s6, s12  }
0xd: {  	s13 =	sshll.u32 s15, $0xB  }
0xe: {  	s16 =	sadd.s32 s1, s13  }
0xf: {  	[tilespmem:s14], [sflag:$0x1] =	stream.linear.gather [hbm4b:s16+s14], $0x4000, $0x38;
	[tilespmem:$0x8C00] =	vst v63  }
0x10: {  	_ =	swait.ge [sflag:s8], $0x4000  }
0x11: {  	s15 =	sshll.u32 s15, $0x7;
	[sflag:s8] =	ssyncset.done $0x0  }
0x12: {  	s15 =	sadd.s32 s5, s15;
	[sflag:s8] =	ssyncadd.s32 $0xFFFFC000  }
0x13: {  	[tilespmem:s9], [sflag:$0x1] =	stream.linear.gather [hbm4b:s15+s14], $0x400, $0x38;
	[tilespmem:$0x8C00] =	vst v63  }
0x14: {  	_ =	swait.ge [sflag:s8], $0x400  }
0x15: {  	[sflag:s8] =	ssyncset.done $0x0  }
0x16: {  	s15 =	simm.s32 $0x0;
	[sflag:s8] =	ssyncadd.s32 $0xFFFFFC00  }
.LBB2_3:
0x17: {  	s16 =	sshll.u32 s15, $0x9;
	s19 =	sand.u32 $0xF000, s14  }
0x18: {  	s16 =	sshrl.u32 s16, $0x2;
	s19 =	sshrl.u32 s19, $0x2  }
0x19: {  	s20 =	sand.u32 $0x70, s14;
	s19 =	sadd.s32 s19, s16  }
0x1a: {  	s19 =	sadd.s32 s20, s19  }
0x1b: {  	v0 =	vld [tilespmem:s19+$0x0];
	_ =	sdelay $0x4  }
0x1c: {  	v0 =	vsub.f32 $0.0e+00, v0;
	_ =	sdelay $0x1  }
0x1d: {  	v0 =	vmul.f32 $1.442695020e+00, v0;
	_ =	sdelay $0x1  }
0x1e: {  	(erf) = vpow2.f32 v0;
	_ =	sdelay $0x8  }
0x1f: {  	v0 =	vpop (erf)  }
0x20: {  	v0 =	vadd.f32 $1.000000000e+00, v0;
	_ =	sdelay $0x1  }
0x21: {  	(erf) = vrcp.f32 v0;
	_ =	sdelay $0x5  }
0x22: {  	s19 =	simm.s32 $0x200  }
0x23: {  	s31 =	sand.u32 $0xF000, s19  }
0x24: {  	s21 =	simm.s32 $0x10;
	s20 =	sshrl.u32 s31, $0x2  }
0x25: {  	s18 =	simm.s32 $0x8000;
	s21 =	sand.u32 $0x70, s21;
	s20 =	sadd.s32 s20, s16;
	v0 =	vpop (erf)  }
0x26: {  	s21 =	sadd.s32 s21, s20;
	[tilespmem:s18+$0x0] =	vst v0;
	(xrf2) =	vadd.scan.msk.f32 $0xffff, v0  }
0x27: {  	v0 =	vld [tilespmem:s21+$0x0]  }
0x28: {  	s17 =	simm.f32 $0.0e+00;
	s20 =	simm.s32 $0x20;
	s21 =	simm.s32 $0x30  }
.LBB2_4:
0x29: {  	p0 =	seq.s32 s21, $0x7F0;
	_ =	sdelay $0x2  }
0x2a: {  	v0 =	vsub.f32 $0.0e+00, v0;
	_ =	sdelay $0x1  }
0x2b: {  	v1 =	vmul.f32 $1.442695020e+00, v0;
	_ =	sdelay $0x1  }
0x2c: {  	(erf) = vpow2.f32 v1;
	v0, _, _ =	vpop (xrf2)  }
0x2d: {  	(v2sf) =	vpush v0, $0xF;
	_ =	sdelay $0x7  }
0x2e: {  	v0 =	vpop (erf)  }
0x2f: {  	v0 =	vadd.f32 $1.000000000e+00, v0;
	_ =	sdelay $0x1  }
0x30: {  	(erf) = vrcp.f32 v0;
	_ =	sdelay $0x3  }
0x31: {  	s22 =	spop (v2sf)  }
0x32: {  	s17 =	sadd.f32 s22, s17  }
0x33: {  	s19 =	sadd.s32 $0x200, s19  }
0x34: {  	s22 =	sand.u32 $0xF000, s19  }
.Ltmp0:
0x35: {  	s22 =	sshrl.u32 s22, $0x2;
	(pc) =	sbr.rel @!p0 .LBB2_4-.Ltmp0, $4  }
0x36: {  	s20 =	sand.u32 $0x70, s20;
	s18 =	sadd.s32 $0x10, s18;
	s22 =	sadd.s32 s22, s16;
	v0 =	vpop (erf)  }
0x37: {  	s22 =	sadd.s32 s20, s22;
	s20 =	smov.u32 s21;
	[tilespmem:s18+$0x0] =	vst v0;
	(xrf2) =	vadd.scan.msk.f32 $0xffff, v0  }
0x38: {  	v0 =	vld [tilespmem:s22+$0x0]  }
0x39: {  	s21 =	sadd.s32 $0x10, s21  }
0x3a: {  	_ =	sdelay $0x2  }
0x3b: {  	v0 =	vsub.f32 $0.0e+00, v0;
	_ =	sdelay $0x1  }
0x3c: {  	v0 =	vmul.f32 $1.442695020e+00, v0;
	_ =	sdelay $0x1  }
0x3d: {  	(erf) = vpow2.f32 v0;
	_ =	sdelay $0x8  }
0x3e: {  	v0 =	vpop (erf)  }
0x3f: {  	v0 =	vadd.f32 $1.000000000e+00, v0;
	_ =	sdelay $0x1  }
0x40: {  	(erf) = vrcp.f32 v0;
	_ =	sdelay $0x5  }
0x41: {  	s19 =	sadd.s32 $0x200, s19  }
0x42: {  	s19 =	sand.u32 $0xF000, s19  }
0x43: {  	s19 =	sshrl.u32 s19, $0x2  }
0x44: {  	s20 =	sand.u32 $0x70, s20;
	s18 =	sadd.s32 $0x10, s18;
	s19 =	sadd.s32 s19, s16;
	v0 =	vpop (erf)  }
0x45: {  	s19 =	sadd.s32 s20, s19;
	[tilespmem:s18+$0x0] =	vst v0  }
0x46: {  	v1 =	vld [tilespmem:s19+$0x0];
	_ =	sdelay $0x4  }
0x47: {  	v1 =	vsub.f32 $0.0e+00, v1;
	_ =	sdelay $0x1  }
0x48: {  	v1 =	vmul.f32 $1.442695020e+00, v1;
	_ =	sdelay $0x1  }
0x49: {  	(erf) = vpow2.f32 v1;
	_ =	sdelay $0x8  }
0x4a: {  	v1 =	vpop (erf)  }
0x4b: {  	v1 =	vadd.f32 $1.000000000e+00, v1;
	_ =	sdelay $0x1  }
0x4c: {  	(erf) = vrcp.f32 v1;
	_ =	sdelay $0x7  }
0x4d: {  	(xrf2) =	vadd.scan.msk.f32 $0xffff, v0  }
0x4e: {  	v0 =	vpop (erf)  }
0x4f: {  	(xrf2) =	vadd.scan.msk.f32 $0xffff, v0;
	_ =	sdelay $0x5  }
0x50: {  	v1, _, _ =	vpop (xrf2)  }
0x51: {  	(v2sf) =	vpush v1, $0xF  }
0x52: {  	v1, _, _ =	vpop (xrf2)  }
0x53: {  	(v2sf) =	vpush v1, $0xF  }
0x54: {  	v1, _, _ =	vpop (xrf2)  }
0x55: {  	s18 =	sadd.s32 $0x10, s18;
	(v2sf) =	vpush v1, $0xF  }
0x56: {  	s30 =	simm.s32 $0x8000;
	[tilespmem:s18+$0x0] =	vst v0  }
0x57: {  	v0 =	vld [tilespmem:s30+$0x0];
	_ =	sdelay $0x4  }
0x58: {  	(xrf2) =	vadd.scan.msk.f32 $0xffff, v0;
	_ =	sdelay $0x3  }
0x59: {  	s25 =	spop (v2sf)  }
0x5a: {  	s17 =	sadd.f32 s25, s17  }
0x5b: {  	s26 =	spop (v2sf)  }
0x5c: {  	s17 =	sadd.f32 s26, s17  }
0x5d: {  	s28 =	spop (v2sf)  }
0x5e: {  	s29 =	sadd.f32 s28, s17  }
0x5f: {  	v1, _, _ =	vpop (xrf2)  }
0x60: {  	v2 =	vsub.f32 s29, v1;
	_ =	sdelay $0x1  }
0x61: {  	v0 =	vadd.f32 v2, v0;
	_ =	sdelay $0x1  }
0x62: {  	v0 =	vmin.f32 v0, $6.300000000e+01  }
0x63: {  	v2 =	vtrunc.f32 v0  }
0x64: {  	v2 =	vcvt.f32.s32 v2  }
0x65: {  	(v2sf) =	vpush v1, $0xF  }
0x66: {  	v1 =	vadd.s32 $0x40, v2;
	_ =	sdelay $0x3  }
0x67: {  	s18 =	sadd.s32 $0x8800, s16  }
0x68: {  	v1 =	vld.idx.msk [tilespmem:v1+s18+$0x0], $0xffff  }
0x69: {  	v3 =	vcvt.s32.f32 v2  }
0x6a: {  	v2 =	vld.idx.msk [tilespmem:v2+s18+$0x0], $0xffff  }
0x6b: {  	v0 =	vsub.f32 v0, v3;
	_ =	sdelay $0x1  }
0x6c: {  	s17 =	simm.s32 $0x0;
	v0 =	vmul.f32 v0, v1  }
0x6d: {  	s16 =	sadd.s32 $0x4000, s16;
	s31 =	sand.u32 $0x3C00, s17  }
0x6e: {  	s21 =	sand.u32 $0x70, s17;
	s19 =	sadd.s32 s31, s16;
	v0 =	vadd.f32 v0, v2  }
0x6f: {  	s19 =	sadd.s32 s21, s19  }
0x70: {  	s21 =	simm.s32 $0x8010;
	s22 =	spop (v2sf);
	[tilespmem:s19+$0x0] =	vst v0  }
0x71: {  	s20 =	ssub.f32 s29, s22;
	s22 =	simm.s32 $0x20;
	s19 =	simm.s32 $0x10;
	v0 =	vld [tilespmem:s21+$0x0]  }
.LBB2_6:
0x72: {  	p0 =	sne.s32 s22, $0x7F0;
	_ =	sdelay $0x3  }
0x73: {  	(xrf2) =	vadd.scan.msk.f32 $0xffff, v0;
	_ =	sdelay $0x9  }
0x74: {  	v1, _, _ =	vpop (xrf2)  }
0x75: {  	v2 =	vsub.f32 s20, v1;
	(v2sf) =	vpush v1, $0xF;
	_ =	sdelay $0x1  }
0x76: {  	v0 =	vadd.f32 v2, v0;
	_ =	sdelay $0x1  }
0x77: {  	v0 =	vmin.f32 v0, $6.300000000e+01  }
0x78: {  	v1 =	vtrunc.f32 v0  }
0x79: {  	v1 =	vcvt.f32.s32 v1;
	_ =	sdelay $0x1  }
0x7a: {  	v2 =	vadd.s32 $0x40, v1;
	_ =	sdelay $0x4  }
0x7b: {  	v2 =	vld.idx.msk [tilespmem:v2+s18+$0x0], $0xffff;
	_ =	sdelay $0x1  }
0x7c: {  	v3 =	vcvt.s32.f32 v1;
	v1 =	vld.idx.msk [tilespmem:v1+s18+$0x0], $0xffff;
	s23 =	spop (v2sf)  }
0x7d: {  	s20 =	ssub.f32 s20, s23  }
0x7e: {  	v0 =	vsub.f32 v0, v3;
	_ =	sdelay $0x1  }
0x7f: {  	s17 =	sadd.s32 $0x80, s17;
	v0 =	vmul.f32 v0, v2  }
.Ltmp1:
0x80: {  	s23 =	sand.u32 $0x3C00, s17;
	(pc) =	sbr.rel @p0 .LBB2_6-.Ltmp1, $4  }
0x81: {  	s24 =	sand.u32 $0x70, s19;
	s19 =	smov.u32 s22;
	s23 =	sadd.s32 s23, s16;
	v0 =	vadd.f32 v0, v1  }
0x82: {  	s23 =	sadd.s32 s24, s23  }
0x83: {  	s21 =	sadd.s32 $0x10, s21;
	[tilespmem:s23+$0x0] =	vst v0  }
0x84: {  	s22 =	sadd.s32 $0x10, s22;
	v0 =	vld [tilespmem:s21+$0x0]  }
0x85: {  	_ =	sdelay $0x3  }
0x86: {  	(xrf2) =	vadd.scan.msk.f32 $0xffff, v0;
	_ =	sdelay $0x9  }
0x87: {  	v1, _, _ =	vpop (xrf2)  }
0x88: {  	v2 =	vsub.f32 s20, v1;
	_ =	sdelay $0x1  }
0x89: {  	v61 =	vadd.f32 v2, v0;
	_ =	sdelay $0x1  }
0x8a: {  	v0 =	vmin.f32 v61, $6.300000000e+01  }
0x8b: {  	v62 =	vtrunc.f32 v0  }
0x8c: {  	v2 =	vcvt.f32.s32 v62  }
0x8d: {  	(v2sf) =	vpush v1, $0xF  }
0x8e: {  	v63 =	vadd.s32 $0x40, v2;
	_ =	sdelay $0x4  }
0x8f: {  	v1 =	vld.idx.msk [tilespmem:v63+s18+$0x0], $0xffff  }
0x90: {  	v3 =	vcvt.s32.f32 v2  }
0x91: {  	v2 =	vld.idx.msk [tilespmem:v2+s18+$0x0], $0xffff  }
0x92: {  	s15 =	sadd.s32 $0x1, s15;
	v0 =	vsub.f32 v0, v3  }
0x93: {  	p0 =	sne.s32 s15, $0x8  }
.Ltmp2:
0x94: {  	s17 =	sadd.s32 $0x80, s17;
	v0 =	vmul.f32 v0, v1;
	(pc) =	sbr.rel @p0 .LBB2_3-.Ltmp2, $4  }
0x95: {  	s17 =	sand.u32 $0x3C00, s17  }
0x96: {  	s30 =	sand.u32 $0x70, s19;
	s16 =	sadd.s32 s17, s16;
	v0 =	vadd.f32 v0, v2  }
0x97: {  	s16 =	sadd.s32 s30, s16  }
0x98: {  	s31 =	spop (v2sf);
	[tilespmem:s16+$0x0] =	vst v0  }
0x99: {  	s12 =	sadd.s32 $0x1, s12  }
0x9a: {  	p0 =	sne.s32 s12, $0x80  }
.Ltmp3:
0x9b: {  	s13 =	sadd.s32 s2, s13;
	(pc) =	sbr.rel @p0 .LBB2_2-.Ltmp3, $4  }
0x9c: {  	[hbm4b:s13+s3] =	stream.linear.scatter [tilespmem:s10], [sflag:$0x1], $0x4000, $0x38;
	[tilespmem:$0x8C00] =	vst v63  }
0x9d: {  	_ =	swait.ge [sflag:s8], $0x4000  }
0x9e: {  	[sflag:s8] =	ssyncset.done $0x0  }
0x9f: {  	[sflag:s8] =	ssyncadd.s32 $0xFFFFC000  }
0xa0: {  	s11 =	sadd.s32 $0x1, s11  }
0xa1: {  	p0 =	sne.s32 s11, s7  }
.Ltmp4:
0xa2: {  	_ = 	snop;
	(pc) =	sbr.rel @p0 .LBB2_1-.Ltmp4, $1  }
0xa3: {  	_ =	sdelay $0x3  }
0xa4: {  	_ =	sfence.sel $0x180000  }
0xa5: {  	[bflag:$0x0] =	sbarrier.arrive $0xFFFF  }
0xa6: {  	p0 =	sne.s32 s4, $0x0;
	_ =	strace $0x90000047  }
0xa7: {  	s0 =	sadd.s32 @!p0 $0x100000, s0;
	[bflag:$0x2] =	sbarrier.arrive $0xFFFF  }
0xa8: {  	[sflag:s0] =	ssyncadd.tile.s32 @!p0 $0x1;
	_ =	shalt  }
.Lfunc_end2:
_tile_overlayer_lowered:
.L_overlay_start_2:
0xa9: {  	(tag) =	ssettag $0x2  }
0xaa: {  	s0 =	rddreg [dreg:$0x0];
	s2 =	stileid.u32  }
0xab: {  	s1 =	rddreg [dreg:$0x1];
	p0 =	sne.s32 s2, $0x0  }
0xac: {  	s3 =	rddreg [dreg:$0x2];
	[bflag:$0x3] =	sbarrier.arrive $0xFFFF;
	s2 =	simm.s32 @!p0 $0x1C01  }
0xad: {  	[timem:s3], [sflag:s2] =	dma.local @!p0 [hbm:s0], s1  }
0xae: {  	s0 =	simm.s32 @!p0 $0x1  }
0xaf: {  	_ =	swait.ge @!p0 [sflag:s0], s1  }
0xb0: {  	s1 =	ssub.s32 @!p0 $0x0, s1;
	[sflag:s0] =	ssyncset.done @!p0 $0x0  }
0xb1: {  	[sflag:s0] =	ssyncadd.s32 @!p0 s1  }
0xb2: {  	[bflag:$0x3] =	sbarrier.arrive $0xFFFF  }
0xb3: {  	_ =	shalt  }

</sc_bundles>
